<compile_context>
chip_gen: v7x
topology: tpu7x:2x2x1
jax: 0.10.2.dev20260603
libtpu: 0.0.44.dev20260713+nightly
codegen_flags: <defaults>
</compile_context>

<pallas_src>
import functools

import jax
import jax.numpy as jnp
from jax import lax
from jax.experimental import pallas as pl
from jax.experimental.pallas import tpu as pltpu
from jax.experimental.pallas import tpu_sc as plsc

_LANES = 16
_NUM_WORKERS = 32
_UNROLL = 8
_NSTAGES = 3


@functools.lru_cache(maxsize=None)
def _build(n: int, num_types: int):
    grain = _NSTAGES * _LANES * _UNROLL
    chunk = ((n + _NUM_WORKERS - 1) // _NUM_WORKERS + grain - 1) // grain * grain
    sub = chunk // _NSTAGES
    assert (n - chunk) % 8 == 0 and n >= chunk

    mesh = plsc.VectorSubcoreMesh(core_axis_name="c", subcore_axis_name="s")

    scratch = (
        [pltpu.VMEM((sub,), jnp.float32) for _ in range(_NSTAGES)]
        + [pltpu.VMEM((sub,), jnp.int32) for _ in range(_NSTAGES)]
        + [pltpu.VMEM((sub,), jnp.float32) for _ in range(_NSTAGES)]
        + [
            pltpu.VMEM((num_types,), jnp.float32),
            pltpu.VMEM((num_types,), jnp.float32),
        ]
        + [pltpu.SemaphoreType.DMA for _ in range(_NSTAGES)]
        + [pltpu.SemaphoreType.DMA]
    )

    @functools.partial(
        pl.kernel,
        mesh=mesh,
        compiler_params=pltpu.CompilerParams(needs_layout_passes=False),
        out_type=jax.ShapeDtypeStruct((n,), jnp.float32),
        scratch_types=scratch,
    )
    def scale_shift(x_hbm, t_hbm, s_hbm, b_hbm, out_hbm, *refs):
        xv = refs[:_NSTAGES]
        tv = refs[_NSTAGES : 2 * _NSTAGES]
        ov = refs[2 * _NSTAGES : 3 * _NSTAGES]
        sv, bv = refs[3 * _NSTAGES], refs[3 * _NSTAGES + 1]
        sems = refs[3 * _NSTAGES + 2 : 3 * _NSTAGES + 2 + _NSTAGES]
        semo = refs[3 * _NSTAGES + 2 + _NSTAGES]

        wid = lax.axis_index("s") * 2 + lax.axis_index("c")
        base = jnp.minimum(wid * chunk, n - chunk)

        cs = pltpu.async_copy(s_hbm, sv, sems[0])
        cb = pltpu.async_copy(b_hbm, bv, sems[0])
        cin = []
        for k in range(_NSTAGES):
            off = base + k * sub
            cin.append(
                (
                    pltpu.async_copy(x_hbm.at[pl.ds(off, sub)], xv[k], sems[k]),
                    pltpu.async_copy(t_hbm.at[pl.ds(off, sub)], tv[k], sems[k]),
                )
            )
        cs.wait()
        cb.wait()

        cout = []
        for k in range(_NSTAGES):
            cx, ct = cin[k]
            cx.wait()
            ct.wait()
            xk, tk, ok = xv[k], tv[k], ov[k]

            @plsc.parallel_loop(0, sub, step=_LANES, unroll=_UNROLL)
            def _(i, xk=xk, tk=tk, ok=ok):
                sl = pl.ds(i, _LANES)
                tt = tk[sl]
                ss = plsc.load_gather(sv, [tt])
                bb = plsc.load_gather(bv, [tt])
                ok[sl] = bb + ss * xk[sl]

            cout.append(
                pltpu.async_copy(ok, out_hbm.at[pl.ds(base + k * sub, sub)], semo)
            )

        for c in cout:
            c.wait()

    return scale_shift


def kernel(in_field, types, scales, shifts):
    n = in_field.shape[0]
    num_types = scales.shape[0]
    fn = _build(n, num_types)
    types = types.reshape(n)
    if types.dtype != jnp.int32:
        types = types.astype(jnp.int32)
    out = fn(
        in_field.reshape(n),
        types,
        scales.reshape(num_types),
        shifts.reshape(num_types),
    )
    return out.reshape(n, 1)

# --- scband reference (transcript-rebuilt; emitter-appended) ---
"""Pipeline reference for scband-per-type-scale-shift-76235669504507 (READ-ONLY COPY).

The authoritative reference and input builder live on the scoring server;
editing this copy changes nothing except your own understanding.
"""

import jax, jax.numpy as jnp
import numpy as np

N_ATOMS = 100000
NUM_TYPES = 64

def setup_inputs(seed: int = 0) -> dict:
    key = jax.random.key(seed)
    k1, k2, k3, k4 = jax.random.split(key, 4)
    in_field = jax.random.normal(k1, (N_ATOMS, 1), dtype=jnp.float32)
    types = jax.random.randint(k2, (N_ATOMS,), 0, NUM_TYPES, dtype=jnp.int64 if jax.config.jax_enable_x64 else jnp.int32)
    # learnable per-type params: scales init to 1.0 (broadcast to num_types since trainable),
    # shifts init to 0.0 (broadcast to num_types since trainable); add small noise to mimic trained state
    scales = jnp.ones((NUM_TYPES, 1), dtype=jnp.float32) + 0.01 * jax.random.normal(k3, (NUM_TYPES, 1), dtype=jnp.float32)
    shifts = jnp.zeros((NUM_TYPES, 1), dtype=jnp.float32) + 0.01 * jax.random.normal(k4, (NUM_TYPES, 1), dtype=jnp.float32)
    return {"in_field": in_field, "types": types, "scales": scales, "shifts": shifts}

def reference(in_field, types, scales, shifts):
    # PerTypeScaleShift.forward with has_scales and has_shifts, no shortcut
    # (trainable per-type params => embedding lookup path)
    types = types.reshape(-1)
    s = jnp.take(scales, types, axis=0)   # embedding gather [N,1]
    b = jnp.take(shifts, types, axis=0)   # embedding gather [N,1]
    # torch.addcmul(shifts, scales, in_field) == shifts + scales * in_field
    out = b + s * in_field
    return out

if __name__ == "__main__":
    import jax
    _d = setup_inputs()
    print(jax.jit(kernel)(*tuple(_d.values())))

</pallas_src>

<mosaic_0001>
#map = affine_map<(d0, d1) -> (0)>
module attributes {stable_mosaic.version = 14 : i64} {
  func.func @scale_shift(%arg0: i32, %arg1: i32, %arg2: memref<100000xf32, #tpu.memory_space<hbm>>, %arg3: memref<100000xi32, #tpu.memory_space<hbm>>, %arg4: memref<64xf32, #tpu.memory_space<hbm>>, %arg5: memref<64xf32, #tpu.memory_space<hbm>>, %arg6: memref<100000xf32, #tpu.memory_space<hbm>>, %arg7: memref<1152xf32, #tpu.memory_space<vmem>>, %arg8: memref<1152xf32, #tpu.memory_space<vmem>>, %arg9: memref<1152xf32, #tpu.memory_space<vmem>>, %arg10: memref<1152xi32, #tpu.memory_space<vmem>>, %arg11: memref<1152xi32, #tpu.memory_space<vmem>>, %arg12: memref<1152xi32, #tpu.memory_space<vmem>>, %arg13: memref<1152xf32, #tpu.memory_space<vmem>>, %arg14: memref<1152xf32, #tpu.memory_space<vmem>>, %arg15: memref<1152xf32, #tpu.memory_space<vmem>>, %arg16: memref<64xf32, #tpu.memory_space<vmem>>, %arg17: memref<64xf32, #tpu.memory_space<vmem>>, %arg18: memref<!tpu.dma_semaphore, #tpu.memory_space<semaphore_mem>>, %arg19: memref<!tpu.dma_semaphore, #tpu.memory_space<semaphore_mem>>, %arg20: memref<!tpu.dma_semaphore, #tpu.memory_space<semaphore_mem>>, %arg21: memref<!tpu.dma_semaphore, #tpu.memory_space<semaphore_mem>>) attributes {dimension_semantics = [#tpu.dimension_semantics<core_parallel>, #tpu.dimension_semantics<subcore_parallel>], iteration_bounds = array<i64: 2, 16>, scalar_prefetch = 0 : i64, scratch_operands = 15 : i64, tpu.core_type = #tpu.core_type<sc_vector_subcore>, window_params = [{transform_indices = #map}, {transform_indices = #map}, {transform_indices = #map}, {transform_indices = #map}, {transform_indices = #map}]} {
    %mul3A = arith.constant 2 : i32
    %mul3A_0 = arith.muli %arg1, %mul3A : i32
    %add3A = arith.addi %mul3A_0, %arg0 : i32
    %mul3A_1 = arith.constant 3456 : i32
    %mul3A_2 = arith.muli %add3A, %mul3A_1 : i32
    %min3A = arith.constant 96544 : i32
    %min3A_3 = arith.minsi %mul3A_2, %min3A : i32
    tpu.enqueue_dma source(%arg4 : memref<64xf32, #tpu.memory_space<hbm>>) target(%arg16 : memref<64xf32, #tpu.memory_space<vmem>>) target_semaphore(%arg18 : memref<!tpu.dma_semaphore, #tpu.memory_space<semaphore_mem>>)
    tpu.enqueue_dma source(%arg5 : memref<64xf32, #tpu.memory_space<hbm>>) target(%arg17 : memref<64xf32, #tpu.memory_space<vmem>>) target_semaphore(%arg18 : memref<!tpu.dma_semaphore, #tpu.memory_space<semaphore_mem>>)
    %add3A_4 = arith.constant 0 : i32
    %add3A_5 = arith.addi %min3A_3, %add3A_4 : i32
    %dma_start3A = tpu.memref_slice %arg2[%add3A_5] : memref<100000xf32, #tpu.memory_space<hbm>> -> memref<1152xf32, #tpu.memory_space<hbm>>
    %dma_start3A_6 = tpu.memref_slice %arg2[%add3A_5] : memref<100000xf32, #tpu.memory_space<hbm>> -> memref<1152xf32, #tpu.memory_space<hbm>>
    tpu.enqueue_dma source(%dma_start3A_6 : memref<1152xf32, #tpu.memory_space<hbm>>) target(%arg7 : memref<1152xf32, #tpu.memory_space<vmem>>) target_semaphore(%arg18 : memref<!tpu.dma_semaphore, #tpu.memory_space<semaphore_mem>>)
    %dma_start3A_7 = tpu.memref_slice %arg3[%add3A_5] : memref<100000xi32, #tpu.memory_space<hbm>> -> memref<1152xi32, #tpu.memory_space<hbm>>
    %dma_start3A_8 = tpu.memref_slice %arg3[%add3A_5] : memref<100000xi32, #tpu.memory_space<hbm>> -> memref<1152xi32, #tpu.memory_space<hbm>>
    tpu.enqueue_dma source(%dma_start3A_8 : memref<1152xi32, #tpu.memory_space<hbm>>) target(%arg10 : memref<1152xi32, #tpu.memory_space<vmem>>) target_semaphore(%arg18 : memref<!tpu.dma_semaphore, #tpu.memory_space<semaphore_mem>>)
    %add3A_9 = arith.constant 1152 : i32
    %add3A_10 = arith.addi %min3A_3, %add3A_9 : i32
    %dma_start3A_11 = tpu.memref_slice %arg2[%add3A_10] : memref<100000xf32, #tpu.memory_space<hbm>> -> memref<1152xf32, #tpu.memory_space<hbm>>
    %dma_start3A_12 = tpu.memref_slice %arg2[%add3A_10] : memref<100000xf32, #tpu.memory_space<hbm>> -> memref<1152xf32, #tpu.memory_space<hbm>>
    tpu.enqueue_dma source(%dma_start3A_12 : memref<1152xf32, #tpu.memory_space<hbm>>) target(%arg8 : memref<1152xf32, #tpu.memory_space<vmem>>) target_semaphore(%arg19 : memref<!tpu.dma_semaphore, #tpu.memory_space<semaphore_mem>>)
    %dma_start3A_13 = tpu.memref_slice %arg3[%add3A_10] : memref<100000xi32, #tpu.memory_space<hbm>> -> memref<1152xi32, #tpu.memory_space<hbm>>
    %dma_start3A_14 = tpu.memref_slice %arg3[%add3A_10] : memref<100000xi32, #tpu.memory_space<hbm>> -> memref<1152xi32, #tpu.memory_space<hbm>>
    tpu.enqueue_dma source(%dma_start3A_14 : memref<1152xi32, #tpu.memory_space<hbm>>) target(%arg11 : memref<1152xi32, #tpu.memory_space<vmem>>) target_semaphore(%arg19 : memref<!tpu.dma_semaphore, #tpu.memory_space<semaphore_mem>>)
    %add3A_15 = arith.constant 2304 : i32
    %add3A_16 = arith.addi %min3A_3, %add3A_15 : i32
    %dma_start3A_17 = tpu.memref_slice %arg2[%add3A_16] : memref<100000xf32, #tpu.memory_space<hbm>> -> memref<1152xf32, #tpu.memory_space<hbm>>
    %dma_start3A_18 = tpu.memref_slice %arg2[%add3A_16] : memref<100000xf32, #tpu.memory_space<hbm>> -> memref<1152xf32, #tpu.memory_space<hbm>>
    tpu.enqueue_dma source(%dma_start3A_18 : memref<1152xf32, #tpu.memory_space<hbm>>) target(%arg9 : memref<1152xf32, #tpu.memory_space<vmem>>) target_semaphore(%arg20 : memref<!tpu.dma_semaphore, #tpu.memory_space<semaphore_mem>>)
    %dma_start3A_19 = tpu.memref_slice %arg3[%add3A_16] : memref<100000xi32, #tpu.memory_space<hbm>> -> memref<1152xi32, #tpu.memory_space<hbm>>
    %dma_start3A_20 = tpu.memref_slice %arg3[%add3A_16] : memref<100000xi32, #tpu.memory_space<hbm>> -> memref<1152xi32, #tpu.memory_space<hbm>>
    tpu.enqueue_dma source(%dma_start3A_20 : memref<1152xi32, #tpu.memory_space<hbm>>) target(%arg12 : memref<1152xi32, #tpu.memory_space<vmem>>) target_semaphore(%arg20 : memref<!tpu.dma_semaphore, #tpu.memory_space<semaphore_mem>>)
    tpu.wait_dma2 semaphore(%arg18 : memref<!tpu.dma_semaphore, #tpu.memory_space<semaphore_mem>>) src(%arg4 : memref<64xf32, #tpu.memory_space<hbm>>) dst(%arg16 : memref<64xf32, #tpu.memory_space<vmem>>)
    tpu.wait_dma2 semaphore(%arg18 : memref<!tpu.dma_semaphore, #tpu.memory_space<semaphore_mem>>) src(%arg5 : memref<64xf32, #tpu.memory_space<hbm>>) dst(%arg17 : memref<64xf32, #tpu.memory_space<vmem>>)
    %dma_wait3A = tpu.memref_slice %arg2[%add3A_5] : memref<100000xf32, #tpu.memory_space<hbm>> -> memref<1152xf32, #tpu.memory_space<hbm>>
    %dma_wait3A_21 = tpu.memref_slice %arg2[%add3A_5] : memref<100000xf32, #tpu.memory_space<hbm>> -> memref<1152xf32, #tpu.memory_space<hbm>>
    tpu.wait_dma2 semaphore(%arg18 : memref<!tpu.dma_semaphore, #tpu.memory_space<semaphore_mem>>) src(%dma_wait3A_21 : memref<1152xf32, #tpu.memory_space<hbm>>) dst(%arg7 : memref<1152xf32, #tpu.memory_space<vmem>>)
    %dma_wait3A_22 = tpu.memref_slice %arg3[%add3A_5] : memref<100000xi32, #tpu.memory_space<hbm>> -> memref<1152xi32, #tpu.memory_space<hbm>>
    %dma_wait3A_23 = tpu.memref_slice %arg3[%add3A_5] : memref<100000xi32, #tpu.memory_space<hbm>> -> memref<1152xi32, #tpu.memory_space<hbm>>
    tpu.wait_dma2 semaphore(%arg18 : memref<!tpu.dma_semaphore, #tpu.memory_space<semaphore_mem>>) src(%dma_wait3A_23 : memref<1152xi32, #tpu.memory_space<hbm>>) dst(%arg10 : memref<1152xi32, #tpu.memory_space<vmem>>)
    %parallel_loop3A = arith.constant 0 : i32
    %parallel_loop3A_24 = arith.constant 1152 : i32
    %parallel_loop3A_25 = arith.constant 16 : i32
    scf.for %parallel_loop3A_58 = %parallel_loop3A to %parallel_loop3A_24 step %parallel_loop3A_25  : i32 {
      %parallel_loop3A_59 = arith.index_cast %parallel_loop3A_58 : i32 to index
      %parallel_loop3A_60 = tpu.vector_load %arg10[%parallel_loop3A_59] {strides = array<i32>} : memref<1152xi32, #tpu.memory_space<vmem>>, vector<16xi32>,
      %parallel_loop3A_61 = tpu.vector_load_idx %arg16[%parallel_loop3A_60] : memref<64xf32, #tpu.memory_space<vmem>>[vector<16xi32>], vector<16xf32>,
      %parallel_loop3A_62 = tpu.vector_load_idx %arg17[%parallel_loop3A_60] : memref<64xf32, #tpu.memory_space<vmem>>[vector<16xi32>], vector<16xf32>,
      %parallel_loop3A_63 = arith.index_cast %parallel_loop3A_58 : i32 to index
      %parallel_loop3A_64 = tpu.vector_load %arg7[%parallel_loop3A_63] {strides = array<i32>} : memref<1152xf32, #tpu.memory_space<vmem>>, vector<16xf32>,
      %parallel_loop3A_65 = arith.mulf %parallel_loop3A_61, %parallel_loop3A_64 : vector<16xf32>
      %parallel_loop3A_66 = arith.addf %parallel_loop3A_62, %parallel_loop3A_65 : vector<16xf32>
      %parallel_loop3A_67 = arith.index_cast %parallel_loop3A_58 : i32 to index
      %parallel_loop3A_68 = tpu.vector_load %arg13[%parallel_loop3A_67] {strides = array<i32>} : memref<1152xf32, #tpu.memory_space<vmem>>, vector<16xf32>,
      tpu.vector_store %arg13[%parallel_loop3A_67], %parallel_loop3A_66 {strides = array<i32>} : memref<1152xf32, #tpu.memory_space<vmem>>, vector<16xf32>,
    } {sc.loop_unroll_factor = 8 : i64, sc.parallel_access}
    %add3A_26 = arith.constant 0 : i32
    %add3A_27 = arith.addi %min3A_3, %add3A_26 : i32
    %dma_start3A_28 = tpu.memref_slice %arg6[%add3A_27] : memref<100000xf32, #tpu.memory_space<hbm>> -> memref<1152xf32, #tpu.memory_space<hbm>>
    %dma_start3A_29 = tpu.memref_slice %arg6[%add3A_27] : memref<100000xf32, #tpu.memory_space<hbm>> -> memref<1152xf32, #tpu.memory_space<hbm>>
    tpu.enqueue_dma source(%arg13 : memref<1152xf32, #tpu.memory_space<vmem>>) target(%dma_start3A_29 : memref<1152xf32, #tpu.memory_space<hbm>>) target_semaphore(%arg21 : memref<!tpu.dma_semaphore, #tpu.memory_space<semaphore_mem>>)
    %dma_wait3A_30 = tpu.memref_slice %arg2[%add3A_10] : memref<100000xf32, #tpu.memory_space<hbm>> -> memref<1152xf32, #tpu.memory_space<hbm>>
    %dma_wait3A_31 = tpu.memref_slice %arg2[%add3A_10] : memref<100000xf32, #tpu.memory_space<hbm>> -> memref<1152xf32, #tpu.memory_space<hbm>>
    tpu.wait_dma2 semaphore(%arg19 : memref<!tpu.dma_semaphore, #tpu.memory_space<semaphore_mem>>) src(%dma_wait3A_31 : memref<1152xf32, #tpu.memory_space<hbm>>) dst(%arg8 : memref<1152xf32, #tpu.memory_space<vmem>>)
    %dma_wait3A_32 = tpu.memref_slice %arg3[%add3A_10] : memref<100000xi32, #tpu.memory_space<hbm>> -> memref<1152xi32, #tpu.memory_space<hbm>>
    %dma_wait3A_33 = tpu.memref_slice %arg3[%add3A_10] : memref<100000xi32, #tpu.memory_space<hbm>> -> memref<1152xi32, #tpu.memory_space<hbm>>
    tpu.wait_dma2 semaphore(%arg19 : memref<!tpu.dma_semaphore, #tpu.memory_space<semaphore_mem>>) src(%dma_wait3A_33 : memref<1152xi32, #tpu.memory_space<hbm>>) dst(%arg11 : memref<1152xi32, #tpu.memory_space<vmem>>)
    %parallel_loop3A_34 = arith.constant 0 : i32
    %parallel_loop3A_35 = arith.constant 1152 : i32
    %parallel_loop3A_36 = arith.constant 16 : i32
    scf.for %parallel_loop3A_58 = %parallel_loop3A_34 to %parallel_loop3A_35 step %parallel_loop3A_36  : i32 {
      %parallel_loop3A_59 = arith.index_cast %parallel_loop3A_58 : i32 to index
      %parallel_loop3A_60 = tpu.vector_load %arg11[%parallel_loop3A_59] {strides = array<i32>} : memref<1152xi32, #tpu.memory_space<vmem>>, vector<16xi32>,
      %parallel_loop3A_61 = tpu.vector_load_idx %arg16[%parallel_loop3A_60] : memref<64xf32, #tpu.memory_space<vmem>>[vector<16xi32>], vector<16xf32>,
      %parallel_loop3A_62 = tpu.vector_load_idx %arg17[%parallel_loop3A_60] : memref<64xf32, #tpu.memory_space<vmem>>[vector<16xi32>], vector<16xf32>,
      %parallel_loop3A_63 = arith.index_cast %parallel_loop3A_58 : i32 to index
      %parallel_loop3A_64 = tpu.vector_load %arg8[%parallel_loop3A_63] {strides = array<i32>} : memref<1152xf32, #tpu.memory_space<vmem>>, vector<16xf32>,
      %parallel_loop3A_65 = arith.mulf %parallel_loop3A_61, %parallel_loop3A_64 : vector<16xf32>
      %parallel_loop3A_66 = arith.addf %parallel_loop3A_62, %parallel_loop3A_65 : vector<16xf32>
      %parallel_loop3A_67 = arith.index_cast %parallel_loop3A_58 : i32 to index
      %parallel_loop3A_68 = tpu.vector_load %arg14[%parallel_loop3A_67] {strides = array<i32>} : memref<1152xf32, #tpu.memory_space<vmem>>, vector<16xf32>,
      tpu.vector_store %arg14[%parallel_loop3A_67], %parallel_loop3A_66 {strides = array<i32>} : memref<1152xf32, #tpu.memory_space<vmem>>, vector<16xf32>,
    } {sc.loop_unroll_factor = 8 : i64, sc.parallel_access}
    %add3A_37 = arith.constant 1152 : i32
    %add3A_38 = arith.addi %min3A_3, %add3A_37 : i32
    %dma_start3A_39 = tpu.memref_slice %arg6[%add3A_38] : memref<100000xf32, #tpu.memory_space<hbm>> -> memref<1152xf32, #tpu.memory_space<hbm>>
    %dma_start3A_40 = tpu.memref_slice %arg6[%add3A_38] : memref<100000xf32, #tpu.memory_space<hbm>> -> memref<1152xf32, #tpu.memory_space<hbm>>
    tpu.enqueue_dma source(%arg14 : memref<1152xf32, #tpu.memory_space<vmem>>) target(%dma_start3A_40 : memref<1152xf32, #tpu.memory_space<hbm>>) target_semaphore(%arg21 : memref<!tpu.dma_semaphore, #tpu.memory_space<semaphore_mem>>)
    %dma_wait3A_41 = tpu.memref_slice %arg2[%add3A_16] : memref<100000xf32, #tpu.memory_space<hbm>> -> memref<1152xf32, #tpu.memory_space<hbm>>
    %dma_wait3A_42 = tpu.memref_slice %arg2[%add3A_16] : memref<100000xf32, #tpu.memory_space<hbm>> -> memref<1152xf32, #tpu.memory_space<hbm>>
    tpu.wait_dma2 semaphore(%arg20 : memref<!tpu.dma_semaphore, #tpu.memory_space<semaphore_mem>>) src(%dma_wait3A_42 : memref<1152xf32, #tpu.memory_space<hbm>>) dst(%arg9 : memref<1152xf32, #tpu.memory_space<vmem>>)
    %dma_wait3A_43 = tpu.memref_slice %arg3[%add3A_16] : memref<100000xi32, #tpu.memory_space<hbm>> -> memref<1152xi32, #tpu.memory_space<hbm>>
    %dma_wait3A_44 = tpu.memref_slice %arg3[%add3A_16] : memref<100000xi32, #tpu.memory_space<hbm>> -> memref<1152xi32, #tpu.memory_space<hbm>>
    tpu.wait_dma2 semaphore(%arg20 : memref<!tpu.dma_semaphore, #tpu.memory_space<semaphore_mem>>) src(%dma_wait3A_44 : memref<1152xi32, #tpu.memory_space<hbm>>) dst(%arg12 : memref<1152xi32, #tpu.memory_space<vmem>>)
    %parallel_loop3A_45 = arith.constant 0 : i32
    %parallel_loop3A_46 = arith.constant 1152 : i32
    %parallel_loop3A_47 = arith.constant 16 : i32
    scf.for %parallel_loop3A_58 = %parallel_loop3A_45 to %parallel_loop3A_46 step %parallel_loop3A_47  : i32 {
      %parallel_loop3A_59 = arith.index_cast %parallel_loop3A_58 : i32 to index
      %parallel_loop3A_60 = tpu.vector_load %arg12[%parallel_loop3A_59] {strides = array<i32>} : memref<1152xi32, #tpu.memory_space<vmem>>, vector<16xi32>,
      %parallel_loop3A_61 = tpu.vector_load_idx %arg16[%parallel_loop3A_60] : memref<64xf32, #tpu.memory_space<vmem>>[vector<16xi32>], vector<16xf32>,
      %parallel_loop3A_62 = tpu.vector_load_idx %arg17[%parallel_loop3A_60] : memref<64xf32, #tpu.memory_space<vmem>>[vector<16xi32>], vector<16xf32>,
      %parallel_loop3A_63 = arith.index_cast %parallel_loop3A_58 : i32 to index
      %parallel_loop3A_64 = tpu.vector_load %arg9[%parallel_loop3A_63] {strides = array<i32>} : memref<1152xf32, #tpu.memory_space<vmem>>, vector<16xf32>,
      %parallel_loop3A_65 = arith.mulf %parallel_loop3A_61, %parallel_loop3A_64 : vector<16xf32>
      %parallel_loop3A_66 = arith.addf %parallel_loop3A_62, %parallel_loop3A_65 : vector<16xf32>
      %parallel_loop3A_67 = arith.index_cast %parallel_loop3A_58 : i32 to index
      %parallel_loop3A_68 = tpu.vector_load %arg15[%parallel_loop3A_67] {strides = array<i32>} : memref<1152xf32, #tpu.memory_space<vmem>>, vector<16xf32>,
      tpu.vector_store %arg15[%parallel_loop3A_67], %parallel_loop3A_66 {strides = array<i32>} : memref<1152xf32, #tpu.memory_space<vmem>>, vector<16xf32>,
    } {sc.loop_unroll_factor = 8 : i64, sc.parallel_access}
    %add3A_48 = arith.constant 2304 : i32
    %add3A_49 = arith.addi %min3A_3, %add3A_48 : i32
    %dma_start3A_50 = tpu.memref_slice %arg6[%add3A_49] : memref<100000xf32, #tpu.memory_space<hbm>> -> memref<1152xf32, #tpu.memory_space<hbm>>
    %dma_start3A_51 = tpu.memref_slice %arg6[%add3A_49] : memref<100000xf32, #tpu.memory_space<hbm>> -> memref<1152xf32, #tpu.memory_space<hbm>>
    tpu.enqueue_dma source(%arg15 : memref<1152xf32, #tpu.memory_space<vmem>>) target(%dma_start3A_51 : memref<1152xf32, #tpu.memory_space<hbm>>) target_semaphore(%arg21 : memref<!tpu.dma_semaphore, #tpu.memory_space<semaphore_mem>>)
    %dma_wait3A_52 = tpu.memref_slice %arg6[%add3A_27] : memref<100000xf32, #tpu.memory_space<hbm>> -> memref<1152xf32, #tpu.memory_space<hbm>>
    %dma_wait3A_53 = tpu.memref_slice %arg6[%add3A_27] : memref<100000xf32, #tpu.memory_space<hbm>> -> memref<1152xf32, #tpu.memory_space<hbm>>
    tpu.wait_dma2 semaphore(%arg21 : memref<!tpu.dma_semaphore, #tpu.memory_space<semaphore_mem>>) src(%arg13 : memref<1152xf32, #tpu.memory_space<vmem>>) dst(%dma_wait3A_53 : memref<1152xf32, #tpu.memory_space<hbm>>)
    %dma_wait3A_54 = tpu.memref_slice %arg6[%add3A_38] : memref<100000xf32, #tpu.memory_space<hbm>> -> memref<1152xf32, #tpu.memory_space<hbm>>
    %dma_wait3A_55 = tpu.memref_slice %arg6[%add3A_38] : memref<100000xf32, #tpu.memory_space<hbm>> -> memref<1152xf32, #tpu.memory_space<hbm>>
    tpu.wait_dma2 semaphore(%arg21 : memref<!tpu.dma_semaphore, #tpu.memory_space<semaphore_mem>>) src(%arg14 : memref<1152xf32, #tpu.memory_space<vmem>>) dst(%dma_wait3A_55 : memref<1152xf32, #tpu.memory_space<hbm>>)
    %dma_wait3A_56 = tpu.memref_slice %arg6[%add3A_49] : memref<100000xf32, #tpu.memory_space<hbm>> -> memref<1152xf32, #tpu.memory_space<hbm>>
    %dma_wait3A_57 = tpu.memref_slice %arg6[%add3A_49] : memref<100000xf32, #tpu.memory_space<hbm>> -> memref<1152xf32, #tpu.memory_space<hbm>>
    tpu.wait_dma2 semaphore(%arg21 : memref<!tpu.dma_semaphore, #tpu.memory_space<semaphore_mem>>) src(%arg15 : memref<1152xf32, #tpu.memory_space<vmem>>) dst(%dma_wait3A_57 : memref<1152xf32, #tpu.memory_space<hbm>>)
    return
  }
}

</mosaic_0001>

<sc_bundles>
// kernel: kernel.3.cloned.1.call-start
scs
__scs_entry_jumppad:
0x0: {  	(pc) =	sbr.rel $0x88, $3  }
0x1: {  	(tag) =	ssettag $0x0;
	lr =	simm.s32 $0x1  }
0x2: {  	[smem:$0x3F9D] =	sst lr;
	_ =	strace $0xD0000000  }
0x3: {  	_ = 	snop  }
0x4: {  	_ = 	snop  }
0x5: {  	_ = 	snop  }
0x6: {  	_ = 	snop  }
0x7: {  	_ = 	snop  }
__scs_overlays_trampoline_lowered:
0x8: {  	[smem:$0x3FAC] =	sst s0  }
0x9: {  	[smem:$0x3FAD] =	sst s1  }
0xa: {  	[smem:$0x3FAE] =	sst s2  }
0xb: {  	[smem:$0x3FAF] =	sst s3  }
0xc: {  	[smem:$0x3FB0] =	sst s4  }
0xd: {  	[smem:$0x3FB1] =	sst s5  }
0xe: {  	[smem:$0x3FB2] =	sst s6  }
0xf: {  	[smem:$0x3FB3] =	sst s7  }
0x10: {  	[smem:$0x3FB4] =	sst s8  }
0x11: {  	[smem:$0x3FB5] =	sst s9;
	s0 =	simm.s32 @!p0 $0x0  }
0x12: {  	s1 =	sld [smem:$0x3F9B];
	s0 =	simm.s32 @p0 $0x1  }
0x13: {  	[smem:$0x3FB6] =	sst s0;
	s0 =	simm.s32 @!p1 $0x0  }
0x14: {  	s2 =	sld [smem:$0x3F9A];
	s0 =	simm.s32 @p1 $0x1  }
0x15: {  	[smem:$0x3FB7] =	sst s0;
	s0 =	simm.s32 @!p2 $0x0  }
0x16: {  	s3 =	sld [smem:$0x3FDB];
	s0 =	simm.s32 @p2 $0x1  }
0x17: {  	s4 =	simm.s32 $0x1BF5;
	[smem:$0x3FB9] =	sst s0  }
0x18: {  	s0 =	sld [smem:$0x3F9C];
	_ =	swait.ge [sflag:s4], $0x0  }
0x19: {  	s7 =	sld [smem:$0x3F9D]  }
0x1a: {  	s8 =	sadd.s32 $0xFFFFE003, lr  }
0x1b: {  	s9 =	sadd.s32 $0xFFFFFEF7, lr;
	s5 =	simm.s32 $0xFFFFFFFF;
	p2 =	slt.u32 s8, $0xFFFFF086  }
0x1c: {  	p1 =	slt.u32 s9, $0xF7A;
	s5 =	simm.s32 @!p2 $0x0  }
0x1d: {  	s5 =	simm.s32 @p1 $0x1;
	p0 =	seq.s32 s7, s2  }
0x1e: {  	s7 =	smul.u32 @!p0 $0xF7A, s2;
	p2 =	seq.s32 @!p0 s5, $0x0  }
0x1f: {  	s9 =	smul.u32 $0xF7A, s1;
	s8 =	simm.s32 @!p0 $0x1BF5;
	p2 =	por !p2, p0  }
0x20: {  	[sflag:s8] =	ssyncset.s32 @!p0 $0xFFFFF086;
	s6 =	sadd.s32 @!p0 s3, s7;
	s7 =	simm.s32 @!p0 $0x108  }
0x21: {  	s3 =	sadd.s32 s3, s9;
	s6 =	sadd.s32 @!p0 $0x88, s6;
	s7 =	simm.s32 @p2 $0x1082  }
0x22: {  	[simem:s7], [sflag:s8] =	dma.local @!p0 [hbm:s6], $0xF7A  }
0x23: {  	s9 =	sor.u32 $0xD0000000, s2;
	s6 =	simm.s32 $0x108;
	_ =	swait.ge @!p0 [sflag:s8], $0x0  }
0x24: {  	s3 =	sadd.s32 $0x88, s3;
	s6 =	simm.s32 @!p1 $0x1082;
	[sflag:s4] =	ssyncset.s32 $0xFFFFF086  }
0x25: {  	[simem:s6], [sflag:s4] =	dma.local [hbm:s3], $0xF7A  }
0x26: {  	[smem:$0x3F9D] =	sst s1;
	(tag) =	ssettag s2;
	_ =	strace s9  }
0x27: {  	s1 =	sld [smem:$0x3FAD]  }
0x28: {  	s2 =	sld [smem:$0x3FAE]  }
0x29: {  	s4 =	sld [smem:$0x3FB0]  }
0x2a: {  	p0 =	seq.s32 s5, $0x0;
	s5 =	sld [smem:$0x3FB1]  }
0x2b: {  	s6 =	sld [smem:$0x3FB2]  }
0x2c: {  	s7 =	sld [smem:$0x3FB3]  }
0x2d: {  	s3 =	simm.s32 $0x108;
	s8 =	sld [smem:$0x3FB4]  }
0x2e: {  	s3 =	simm.s32 @!p0 $0x1082;
	s9 =	sld [smem:$0x3FB5]  }
0x2f: {  	lr =	sadd.s32 s0, s3;
	s0 =	sld [smem:$0x3FAC]  }
0x30: {  	s3 =	sld [smem:$0x3FAF]  }
0x31: {  	[smem:$0x3FB8] =	sst s10  }
0x32: {  	s10 =	sld [smem:$0x3FB6];
	_ =	sdelay $0x3  }
0x33: {  	p0 =	seq.s32 s10, $0x1;
	s10 =	sld [smem:$0x3FB8];
	_ =	sdelay $0x3  }
0x34: {  	[smem:$0x3FB8] =	sst s10  }
0x35: {  	s10 =	sld [smem:$0x3FB7];
	_ =	sdelay $0x3  }
0x36: {  	p1 =	seq.s32 s10, $0x1;
	s10 =	sld [smem:$0x3FB8];
	_ =	sdelay $0x3  }
0x37: {  	[smem:$0x3FB8] =	sst s10  }
0x38: {  	s10 =	sld [smem:$0x3FB9]  }
0x39: {  	_ = 	snop;
	(pc) =	sbr.ind lr, $3  }
0x3a: {  	_ = 	snop  }
0x3b: {  	_ = 	snop  }
0x3c: {  	p2 =	seq.s32 s10, $0x1;
	s10 =	sld [smem:$0x3FB8]  }
0x3d: {  	_ =	shalt  }
0x3e: {  	_ =	shalt  }
0x3f: {  	_ =	shalt  }
0x40: {  	_ =	shalt  }
0x41: {  	_ =	shalt  }
0x42: {  	_ =	shalt  }
0x43: {  	_ =	shalt  }
0x44: {  	_ =	shalt  }
0x45: {  	_ =	shalt  }
0x46: {  	_ =	shalt  }
0x47: {  	_ =	shalt  }
0x48: {  	_ =	shalt  }
0x49: {  	_ =	shalt  }
0x4a: {  	_ =	shalt  }
0x4b: {  	_ =	shalt  }
0x4c: {  	_ =	shalt  }
0x4d: {  	_ =	shalt  }
0x4e: {  	_ =	shalt  }
0x4f: {  	_ =	shalt  }
0x50: {  	_ =	shalt  }
0x51: {  	_ =	shalt  }
0x52: {  	_ =	shalt  }
0x53: {  	_ =	shalt  }
0x54: {  	_ =	shalt  }
0x55: {  	_ =	shalt  }
0x56: {  	_ =	shalt  }
0x57: {  	_ =	shalt  }
0x58: {  	_ =	shalt  }
0x59: {  	_ =	shalt  }
0x5a: {  	_ =	shalt  }
0x5b: {  	_ =	shalt  }
0x5c: {  	_ =	shalt  }
0x5d: {  	_ =	shalt  }
0x5e: {  	_ =	shalt  }
0x5f: {  	_ =	shalt  }
0x60: {  	_ =	shalt  }
0x61: {  	_ =	shalt  }
0x62: {  	_ =	shalt  }
0x63: {  	_ =	shalt  }
0x64: {  	_ =	shalt  }
0x65: {  	_ =	shalt  }
0x66: {  	_ =	shalt  }
0x67: {  	_ =	shalt  }
0x68: {  	_ =	shalt  }
0x69: {  	_ =	shalt  }
0x6a: {  	_ =	shalt  }
0x6b: {  	_ =	shalt  }
0x6c: {  	_ =	shalt  }
0x6d: {  	_ =	shalt  }
0x6e: {  	_ =	shalt  }
0x6f: {  	_ =	shalt  }
0x70: {  	_ =	shalt  }
0x71: {  	_ =	shalt  }
0x72: {  	_ =	shalt  }
0x73: {  	_ =	shalt  }
0x74: {  	_ =	shalt  }
0x75: {  	_ =	shalt  }
0x76: {  	_ =	shalt  }
0x77: {  	_ =	shalt  }
0x78: {  	_ =	shalt  }
0x79: {  	_ =	shalt  }
0x7a: {  	_ =	shalt  }
0x7b: {  	_ =	shalt  }
0x7c: {  	_ =	shalt  }
0x7d: {  	_ =	shalt  }
0x7e: {  	_ =	shalt  }
0x7f: {  	_ =	shalt  }
0x80: {  	_ =	shalt  }
0x81: {  	_ =	shalt  }
0x82: {  	_ =	shalt  }
0x83: {  	_ =	shalt  }
0x84: {  	_ =	shalt  }
0x85: {  	_ =	shalt  }
0x86: {  	_ =	shalt  }
0x87: {  	_ =	shalt  }
.Lfunc_end0:
.L_simem_size_0:
called_computation_lowered:
.L_overlay_start_0:
0x88: {  	s2 =	sld [smem:$0x3FD9]  }
0x89: {  	s3 =	sld [smem:$0x3FFE];
	_ =	sdelay $0x1  }
0x8a: {  	s1 =	srdreg.scid  }
0x8b: {  	s0 =	sand.u32 $0x1, s1  }
0x8c: {  	s17 =	sshll.u32 s0, $0xA;
	s2 =	sadd.s32 s3, s2  }
0x8d: {  	s2 =	sadd.s32 s2, s17  }
0x8e: {  	[smem:$0x3FC4] =	sst s2  }
0x8f: {  	_ = 	snop  }
0x90: {  	s2 =	sld [smem:$0x3FC8]  }
0x91: {  	s18 =	sld [smem:$0x3FC7]  }
0x92: {  	s4 =	sld [smem:$0x3FC6];
	(tm) =	ssettm $0x1  }
0x93: {  	s5 =	sld [smem:$0x3FFB];
	_ =	sdelay $0x3  }
0x94: {  	_ =	strace s5  }
0x95: {  	s5 =	sld [smem:$0x3FFC];
	_ =	sdelay $0x3  }
0x96: {  	_ =	strace s5  }
0x97: {  	s5 =	sld [smem:$0x3FFD];
	_ =	sdelay $0x3  }
0x98: {  	_ =	strace s5  }
0x99: {  	_ =	strace $0x8FFFFFFF  }
0x9a: {  	s19 =	sld [smem:$0x3FDB];
	_ =	sdelay $0x1  }
0x9b: {  	s6 =	simm.s32 $_scs_section_size  }
0x9c: {  	s7 =	simm.s32 $_size__tile_overlayer_lowered;
	s8 =	simm.s32 $_tile_overlayer_lowered  }
0x9d: {  	s22 =	simm.s32 $0x1BFF;
	s21 =	sshll.u32 s8, $0x1;
	s5 =	sadd.s32 s6, s19  }
0x9e: {  	s9 =	simm.s32 $0x0;
	s20 =	sshll.u32 s7, $0x1;
	s7 =	sadd.s32 s21, s5  }
0x9f: {  	[timem:s9], [sflag:s22] =	dma.local [hbm:s7], s20  }
0xa0: {  	_ =	swait.ge [sflag:s22], s20  }
0xa1: {  	s6 =	ssub.s32 $0x0, s20;
	[sflag:s22] =	ssyncset.done $0x0  }
0xa2: {  	[sflag:s22] =	ssyncadd.s32 s6;
	_ =	sdelay $0x1  }
0xa3: {  	s23 =	simm.s32 $0x1B8B  }
0xa4: {  	_ =	swait.ge [sflag:s23], $0x1  }
0xa5: {  	[sflag:s23] =	ssyncset.done $0x0  }
0xa6: {  	s25 =	simm.s32 $0x1B8E;
	s24 =	sld [smem:$0x3FFE];
	[sflag:s23] =	ssyncadd.s32 $0xFFFFFFFF  }
0xa7: {  	s26 =	simm.s32 $execute0_lowered;
	[smem:$0x3FD2] =	sst s25  }
0xa8: {  	s7 =	sshll.u32 s26, $0x1;
	_ =	strace $0x80000046;
	[dreg:$0x1] =	wrdreg $0xFFFFFFFF  }
0xa9: {  	s28 =	simm.s32 $_size_execute0_lowered;
	s5 =	sadd.s32 s5, s7;
	[dreg:$0x0] =	wrdreg $0x0  }
0xaa: {  	s7 =	sshll.u32 s28, $0x1;
	[dreg:$0x2] =	wrdreg s5  }
0xab: {  	[dreg:$0x3] =	wrdreg s7  }
0xac: {  	[dreg:$0x4] =	wrdreg $0xC0  }
0xad: {  	_ =	task [dreg:s9], $0x5FFFF  }
0xae: {  	[dreg:$0x1] =	wrdreg $0xFFFFFFFF  }
0xaf: {  	[dreg:$0x0] =	wrdreg $0x60  }
0xb0: {  	[dreg:$0x2] =	wrdreg s24  }
0xb1: {  	[dreg:$0x3] =	wrdreg s2  }
0xb2: {  	[dreg:$0x4] =	wrdreg s18  }
0xb3: {  	[dreg:$0x5] =	wrdreg s4  }
0xb4: {  	[dreg:$0x6] =	wrdreg $0x9  }
0xb5: {  	_ =	task.clear_ibuf [dreg:s9], $0x7FFFF;
	_ =	strace $0x90000046  }
0xb6: {  	s29 =	simm.s32 $0x9;
	_ =	strace $0x80000048  }
0xb7: {  	_ =	swait.ge [sflag:s29], $0x1  }
0xb8: {  	[sflag:s29] =	ssyncadd.s32 $0xFFFFFFFF  }
0xb9: {  	_ =	strace $0x90000048  }
0xba: {  	_ =	sfence  }
0xbb: {  	s30 =	sld [smem:$0x0];
	_ =	sdelay $0x2  }
0xbc: {  	s31 =	sshll.u32 s1, $0xD;
	s1 =	sshrl.u32 s1, $0x2  }
0xbd: {  	s3 =	sand.u32 $0x4000, s31;
	s1 =	sadd.s32 s1, s30  }
0xbe: {  	s0 =	sor.u32 s3, s0;
	s1 =	sshll.u32 s1, $0x11  }
0xbf: {  	s0 =	sor.u32 s1, s0  }
0xc0: {  	s0 =	sadd.s32 $0x8F2B, s0  }
0xc1: {  	[sflag:s0] =	ssyncadd.remote.s32 $0x1  }
0xc2: {  	_ =	sfence.sel $0xFFFF  }
0xc3: {  	[dreg:$0x0] =	wrdreg $0xFFFFFFFF;
	(pc) =	sbr.abs _section_cstart, $3  }
0xc4: {  	[dreg:$0x1] =	wrdreg $0xFFFFFFFF  }
0xc5: {  	_ =	task.clear_ibuf [dreg:s9], $0x2FFFF;
	_ =	strace $0x9FFFFFFF  }
0xc6: {  	(tm) =	ssettm $0x7FFFFFFF  }
0xc7: {  	_ =	shalt  }
tec
execute0_lowered:
.L_overlay_start_1:
0x0: {  	(tag) =	ssettag $0x1  }
0x1: {  	s0 =	rddreg [dreg:$0x0]  }
0x2: {  	s1 =	rddreg [dreg:$0x1];
	s2 =	srdreg.scid  }
0x3: {  	s3 =	stileid.u32;
	s15 =	simm.s32 $0x2880;
	s16 =	simm.s32 $0x2900  }
0x4: {  	s17 =	simm.s32 $0xD80;
	s18 =	simm.s32 $0x480;
	s19 =	simm.s32 $0x1200  }
0x5: {  	s20 =	simm.s32 $0x900;
	s21 =	simm.s32 $0x1680;
	s22 =	simm.s32 $0x1  }
0x6: {  	s23 =	simm.s32 $0x1B00;
	s24 =	simm.s32 $0x2;
	s25 =	simm.s32 $0x1F80  }
0x7: {  	s26 =	simm.s32 $0x3;
	s2 =	sand.u32 $0x1, s2;
	s4 =	sshll.u32 s3, $0x1  }
0x8: {  	s28 =	simm.s32 $0x2400;
	s29 =	simm.s32 $0x4;
	s5 =	sor.u32 s2, s4  }
0x9: {  	s30 =	simm.s32 $0x0;
	s3 =	rddreg [dreg:$0x3];
	s5 =	smul.u32 $0xD80, s5  }
0xa: {  	s13 =	sadd.s32 $0x3200, s0;
	s4 =	simm.s32 $0x0;
	s2 =	ssub.s32 $0x2, s2  }
0xb: {  	[smem:$0x7FF] =	sst s4;
	s6 =	sshrl.u32 s2, $0x1;
	s5 =	smin.u32 s5, $0x17920  }
0xc: {  	_ =	strace $0x80000047;
	s2 =	ssub.s32 s2, s6;
	s11 =	sshrl.u32 s5, $0x3  }
0xd: {  	s5 =	sadd.s32 s0, s11;
	s6 =	sadd.s32 s1, s11;
	s12 =	sadd.s32 $0x90, s11  }
0xe: {  	s14 =	sadd.s32 $0x120, s11;
	s11 =	sadd.s32 s13, s11;
	s7 =	sadd.s32 s0, s12  }
0xf: {  	s8 =	sadd.s32 s1, s12;
	s9 =	sadd.s32 s0, s14;
	s10 =	sadd.s32 s1, s14  }
0x10: {  	s12 =	sadd.s32 s13, s12;
	s13 =	sadd.s32 s13, s14;
	s14 =	smax.u32 s2, $0x1  }
.LBB2_1:
0x11: {  	s0 =	rddreg [dreg:$0x2]  }
0x12: {  	[tilespmem:s15], [sflag:$0x1] =	stream.linear.gather [hbm4b:s0+s4], $0x80, $0x38;
	[tilespmem:$0x2980] =	vst v63  }
0x13: {  	_ = 	snop  }
0x14: {  	[tilespmem:s16], [sflag:$0x1] =	stream.linear.gather [hbm4b:s3+s4], $0x80, $0x38;
	[tilespmem:$0x2980] =	vst v63  }
0x15: {  	_ = 	snop  }
0x16: {  	[tilespmem:s4], [sflag:$0x1] =	stream.linear.gather [hbm4b:s5+s4], $0x480, $0x38;
	[tilespmem:$0x2980] =	vst v63  }
0x17: {  	_ = 	snop  }
0x18: {  	[tilespmem:s17], [sflag:$0x1] =	stream.linear.gather [hbm4b:s6+s4], $0x480, $0x38;
	[tilespmem:$0x2980] =	vst v63  }
0x19: {  	_ = 	snop  }
0x1a: {  	[tilespmem:s18], [sflag:$0x2] =	stream.linear.gather [hbm4b:s7+s4], $0x480, $0x38;
	[tilespmem:$0x2980] =	vst v63  }
0x1b: {  	_ = 	snop  }
0x1c: {  	[tilespmem:s19], [sflag:$0x2] =	stream.linear.gather [hbm4b:s8+s4], $0x480, $0x38;
	[tilespmem:$0x2980] =	vst v63  }
0x1d: {  	_ = 	snop  }
0x1e: {  	[tilespmem:s20], [sflag:$0x3] =	stream.linear.gather [hbm4b:s9+s4], $0x480, $0x38;
	[tilespmem:$0x2980] =	vst v63  }
0x1f: {  	_ = 	snop  }
0x20: {  	[tilespmem:s21], [sflag:$0x3] =	stream.linear.gather [hbm4b:s10+s4], $0x480, $0x38;
	[tilespmem:$0x2980] =	vst v63  }
0x21: {  	_ =	swait.ge [sflag:s22], $0x80  }
0x22: {  	[sflag:s22] =	ssyncset.done $0x0  }
0x23: {  	[sflag:s22] =	ssyncadd.s32 $0xFFFFFF80  }
0x24: {  	_ =	swait.ge [sflag:s22], $0x80  }
0x25: {  	[sflag:s22] =	ssyncset.done $0x0  }
0x26: {  	[sflag:s22] =	ssyncadd.s32 $0xFFFFFF80  }
0x27: {  	_ =	swait.ge [sflag:s22], $0x480  }
0x28: {  	[sflag:s22] =	ssyncset.done $0x0  }
0x29: {  	[sflag:s22] =	ssyncadd.s32 $0xFFFFFB80  }
0x2a: {  	_ =	swait.ge [sflag:s22], $0x480  }
0x2b: {  	[sflag:s22] =	ssyncset.done $0x0  }
0x2c: {  	s2 =	simm.s32 $0xDC0;
	[sflag:s22] =	ssyncadd.s32 $0xFFFFFB80  }
0x2d: {  	v0 =	vld [tilespmem:s2+$0x30]  }
0x2e: {  	v1 =	vld [tilespmem:s2+$0xFFFFFFD0]  }
0x2f: {  	v2 =	vld [tilespmem:s2+$0xFFFFFFE0]  }
0x30: {  	v4 =	vld [tilespmem:s2+$0xFFFFFFF0]  }
0x31: {  	v6 =	vld [tilespmem:s2+$0x0]  }
0x32: {  	v9 =	vld [tilespmem:s2+$0x10]  }
0x33: {  	v11 =	vld [tilespmem:s2+$0x20]  }
0x34: {  	s31 =	simm.s32 $0x40;
	v3 =	vld [tilespmem:s2+$0xFFFFFFC0]  }
0x35: {  	v7 =	vld [tilespmem:s31+$0x30]  }
0x36: {  	v18 =	vld [tilespmem:s31+$0xFFFFFFC0]  }
0x37: {  	v19 =	vld [tilespmem:s31+$0xFFFFFFD0]  }
0x38: {  	v20 =	vld [tilespmem:s31+$0xFFFFFFE0]  }
0x39: {  	v21 =	vld [tilespmem:s31+$0xFFFFFFF0]  }
0x3a: {  	v22 =	vld [tilespmem:s31+$0x0]  }
0x3b: {  	v23 =	vld [tilespmem:s31+$0x10]  }
0x3c: {  	v24 =	vld [tilespmem:s31+$0x20]  }
0x3d: {  	v5 =	vld.idx.msk [tilespmem:v0+s15+$0x0], $0xffff  }
0x3e: {  	v0 =	vld.idx.msk [tilespmem:v0+s16+$0x0], $0xffff  }
0x3f: {  	v8 =	vld.idx.msk [tilespmem:v1+s15+$0x0], $0xffff  }
0x40: {  	v12 =	vld.idx.msk [tilespmem:v2+s15+$0x0], $0xffff  }
0x41: {  	v13 =	vld.idx.msk [tilespmem:v4+s15+$0x0], $0xffff  }
0x42: {  	v14 =	vld.idx.msk [tilespmem:v6+s15+$0x0], $0xffff  }
0x43: {  	v15 =	vld.idx.msk [tilespmem:v3+s15+$0x0], $0xffff  }
0x44: {  	v16 =	vld.idx.msk [tilespmem:v9+s15+$0x0], $0xffff  }
0x45: {  	v17 =	vld.idx.msk [tilespmem:v11+s15+$0x0], $0xffff  }
0x46: {  	v25 =	vld.idx.msk [tilespmem:v3+s16+$0x0], $0xffff  }
0x47: {  	v10 =	vld.idx.msk [tilespmem:v1+s16+$0x0], $0xffff  }
0x48: {  	v3 =	vld.idx.msk [tilespmem:v2+s16+$0x0], $0xffff  }
0x49: {  	v9 =	vld.idx.msk [tilespmem:v9+s16+$0x0], $0xffff;
	v5 =	vmul.f32 v7, v5  }
0x4a: {  	v15 =	vmul.f32 v18, v15;
	v7 =	vld.idx.msk [tilespmem:v6+s16+$0x0], $0xffff  }
0x4b: {  	v8 =	vmul.f32 v19, v8;
	v6 =	vmul.f32 v21, v13;
	v0 =	vadd.f32 v5, v0;
	v5 =	vld.idx.msk [tilespmem:v4+s16+$0x0], $0xffff  }
0x4c: {  	s1 =	simm.s32 $0x1B40;
	v11 =	vld.idx.msk [tilespmem:v11+s16+$0x0], $0xffff;
	v1 =	vmul.f32 v22, v14;
	v2 =	vmul.f32 v23, v16  }
0x4d: {  	s0 =	simm.s32 $0x0;
	s2 =	simm.s32 $0xE40;
	v4 =	vmul.f32 v20, v12;
	v12 =	vadd.f32 v15, v25;
	[tilespmem:s1+$0x30] =	vst v0;
	v0 =	vmul.f32 v24, v17  }
.LBB2_2:
0x4e: {  	v13 =	vld [tilespmem:s2+$0x30];
	s0 =	sadd.s32 $0x80, s0;
	v8 =	vadd.f32 v8, v10  }
0x4f: {  	v3 =	vadd.f32 v4, v3;
	v10 =	vld [tilespmem:s2+$0xFFFFFFD0];
	p0 =	slt.u32 s0, $0x400;
	[tilespmem:s1+$0xFFFFFFC0] =	vst v12  }
0x50: {  	v4 =	vadd.f32 v6, v5;
	v12 =	vld [tilespmem:s2+$0xFFFFFFE0];
	[tilespmem:s1+$0xFFFFFFD0] =	vst v8  }
0x51: {  	v1 =	vadd.f32 v1, v7;
	v5 =	vld [tilespmem:s2+$0xFFFFFFF0];
	[tilespmem:s1+$0xFFFFFFE0] =	vst v3  }
0x52: {  	v2 =	vadd.f32 v2, v9;
	v7 =	vld [tilespmem:s2+$0x0];
	[tilespmem:s1+$0xFFFFFFF0] =	vst v4  }
0x53: {  	v0 =	vadd.f32 v0, v11;
	v9 =	vld [tilespmem:s2+$0x10];
	[tilespmem:s1+$0x0] =	vst v1  }
0x54: {  	v11 =	vld [tilespmem:s2+$0x20];
	[tilespmem:s1+$0x10] =	vst v2  }
0x55: {  	v1 =	vld [tilespmem:s2+$0xFFFFFFC0];
	[tilespmem:s1+$0x20] =	vst v0  }
0x56: {  	s31 =	sadd.s32 $0x80, s31;
	v0 =	vld.idx.msk [tilespmem:v13+s15+$0x0], $0xffff  }
0x57: {  	v2 =	vld [tilespmem:s31+$0x30]  }
0x58: {  	v3 =	vld.idx.msk [tilespmem:v13+s16+$0x0], $0xffff  }
0x59: {  	v4 =	vld.idx.msk [tilespmem:v10+s15+$0x0], $0xffff  }
0x5a: {  	v6 =	vld.idx.msk [tilespmem:v12+s15+$0x0], $0xffff  }
0x5b: {  	v13 =	vld.idx.msk [tilespmem:v5+s15+$0x0], $0xffff  }
0x5c: {  	v14 =	vld.idx.msk [tilespmem:v7+s15+$0x0], $0xffff;
	v0 =	vmul.f32 v2, v0  }
0x5d: {  	v2 =	vld.idx.msk [tilespmem:v1+s15+$0x0], $0xffff  }
0x5e: {  	v15 =	vld.idx.msk [tilespmem:v9+s15+$0x0], $0xffff;
	v0 =	vadd.f32 v0, v3  }
0x5f: {  	s1 =	sadd.s32 $0x80, s1;
	v16 =	vld.idx.msk [tilespmem:v11+s15+$0x0], $0xffff  }
0x60: {  	v3 =	vld [tilespmem:s31+$0xFFFFFFC0];
	[tilespmem:s1+$0x30] =	vst v0  }
0x61: {  	v0 =	vld [tilespmem:s31+$0xFFFFFFD0]  }
0x62: {  	v17 =	vld [tilespmem:s31+$0xFFFFFFE0]  }
0x63: {  	v18 =	vld [tilespmem:s31+$0xFFFFFFF0]  }
0x64: {  	v19 =	vld [tilespmem:s31+$0x0]  }
0x65: {  	v20 =	vmul.f32 v3, v2;
	v2 =	vld [tilespmem:s31+$0x10]  }
0x66: {  	v8 =	vmul.f32 v0, v4;
	v0 =	vld [tilespmem:s31+$0x20]  }
0x67: {  	v21 =	vld.idx.msk [tilespmem:v1+s16+$0x0], $0xffff;
	v4 =	vmul.f32 v17, v6  }
0x68: {  	v10 =	vld.idx.msk [tilespmem:v10+s16+$0x0], $0xffff;
	v6 =	vmul.f32 v18, v13  }
.Ltmp0:
0x69: {  	v3 =	vld.idx.msk [tilespmem:v12+s16+$0x0], $0xffff;
	v1 =	vmul.f32 v19, v14;
	(pc) =	sbr.rel @p0 .LBB2_2-.Ltmp0, $4  }
0x6a: {  	v5 =	vld.idx.msk [tilespmem:v5+s16+$0x0], $0xffff;
	v2 =	vmul.f32 v2, v15  }
0x6b: {  	v7 =	vld.idx.msk [tilespmem:v7+s16+$0x0], $0xffff;
	v0 =	vmul.f32 v0, v16  }
0x6c: {  	v9 =	vld.idx.msk [tilespmem:v9+s16+$0x0], $0xffff  }
0x6d: {  	s2 =	sadd.s32 $0x80, s2;
	v12 =	vadd.f32 v20, v21;
	v11 =	vld.idx.msk [tilespmem:v11+s16+$0x0], $0xffff  }
0x6e: {  	v8 =	vadd.f32 v8, v10  }
0x6f: {  	v3 =	vadd.f32 v4, v3;
	[tilespmem:s1+$0xFFFFFFC0] =	vst v12  }
0x70: {  	v4 =	vadd.f32 v6, v5;
	[tilespmem:s1+$0xFFFFFFD0] =	vst v8  }
0x71: {  	[tilespmem:s1+$0xFFFFFFE0] =	vst v3;
	v1 =	vadd.f32 v1, v7  }
0x72: {  	[tilespmem:s1+$0xFFFFFFF0] =	vst v4;
	v2 =	vadd.f32 v2, v9  }
0x73: {  	[tilespmem:s1+$0x0] =	vst v1;
	v0 =	vadd.f32 v0, v11  }
0x74: {  	[tilespmem:s1+$0x10] =	vst v2  }
0x75: {  	[tilespmem:s1+$0x20] =	vst v0  }
0x76: {  	[hbm4b:s11+s4] =	stream.linear.scatter [tilespmem:s23], [sflag:$0x4], $0x480, $0x38;
	[tilespmem:$0x2980] =	vst v63  }
0x77: {  	_ =	swait.ge [sflag:s24], $0x480  }
0x78: {  	[sflag:s24] =	ssyncset.done $0x0  }
0x79: {  	[sflag:s24] =	ssyncadd.s32 $0xFFFFFB80  }
0x7a: {  	_ =	swait.ge [sflag:s24], $0x480  }
0x7b: {  	[sflag:s24] =	ssyncset.done $0x0  }
0x7c: {  	s0 =	simm.s32 $0x1240;
	[sflag:s24] =	ssyncadd.s32 $0xFFFFFB80  }
0x7d: {  	v0 =	vld [tilespmem:s0+$0x30]  }
0x7e: {  	v1 =	vld [tilespmem:s0+$0xFFFFFFD0]  }
0x7f: {  	v2 =	vld [tilespmem:s0+$0xFFFFFFE0]  }
0x80: {  	v4 =	vld [tilespmem:s0+$0xFFFFFFF0]  }
0x81: {  	v6 =	vld [tilespmem:s0+$0x0]  }
0x82: {  	v9 =	vld [tilespmem:s0+$0x10]  }
0x83: {  	v11 =	vld [tilespmem:s0+$0x20]  }
0x84: {  	s31 =	simm.s32 $0x4C0;
	v3 =	vld [tilespmem:s0+$0xFFFFFFC0]  }
0x85: {  	v7 =	vld [tilespmem:s31+$0x30]  }
0x86: {  	v18 =	vld [tilespmem:s31+$0xFFFFFFC0]  }
0x87: {  	v19 =	vld [tilespmem:s31+$0xFFFFFFD0]  }
0x88: {  	v20 =	vld [tilespmem:s31+$0xFFFFFFE0]  }
0x89: {  	v21 =	vld [tilespmem:s31+$0xFFFFFFF0]  }
0x8a: {  	v22 =	vld [tilespmem:s31+$0x0]  }
0x8b: {  	v23 =	vld [tilespmem:s31+$0x10]  }
0x8c: {  	v24 =	vld [tilespmem:s31+$0x20]  }
0x8d: {  	v5 =	vld.idx.msk [tilespmem:v0+s15+$0x0], $0xffff  }
0x8e: {  	v0 =	vld.idx.msk [tilespmem:v0+s16+$0x0], $0xffff  }
0x8f: {  	v8 =	vld.idx.msk [tilespmem:v1+s15+$0x0], $0xffff  }
0x90: {  	v12 =	vld.idx.msk [tilespmem:v2+s15+$0x0], $0xffff  }
0x91: {  	v13 =	vld.idx.msk [tilespmem:v4+s15+$0x0], $0xffff  }
0x92: {  	v14 =	vld.idx.msk [tilespmem:v6+s15+$0x0], $0xffff  }
0x93: {  	v15 =	vld.idx.msk [tilespmem:v3+s15+$0x0], $0xffff  }
0x94: {  	v16 =	vld.idx.msk [tilespmem:v9+s15+$0x0], $0xffff  }
0x95: {  	v17 =	vld.idx.msk [tilespmem:v11+s15+$0x0], $0xffff  }
0x96: {  	v25 =	vld.idx.msk [tilespmem:v3+s16+$0x0], $0xffff  }
0x97: {  	v10 =	vld.idx.msk [tilespmem:v1+s16+$0x0], $0xffff  }
0x98: {  	v3 =	vld.idx.msk [tilespmem:v2+s16+$0x0], $0xffff  }
0x99: {  	v9 =	vld.idx.msk [tilespmem:v9+s16+$0x0], $0xffff;
	v5 =	vmul.f32 v7, v5  }
0x9a: {  	v15 =	vmul.f32 v18, v15;
	v7 =	vld.idx.msk [tilespmem:v6+s16+$0x0], $0xffff  }
0x9b: {  	v8 =	vmul.f32 v19, v8;
	v6 =	vmul.f32 v21, v13;
	v0 =	vadd.f32 v5, v0;
	v5 =	vld.idx.msk [tilespmem:v4+s16+$0x0], $0xffff  }
0x9c: {  	s1 =	simm.s32 $0x1FC0;
	v11 =	vld.idx.msk [tilespmem:v11+s16+$0x0], $0xffff;
	v1 =	vmul.f32 v22, v14;
	v2 =	vmul.f32 v23, v16  }
0x9d: {  	s2 =	simm.s32 $0x12C0;
	s0 =	simm.s32 $0x0;
	v4 =	vmul.f32 v20, v12;
	v12 =	vadd.f32 v15, v25;
	[tilespmem:s1+$0x30] =	vst v0;
	v0 =	vmul.f32 v24, v17  }
.LBB2_4:
0x9e: {  	v13 =	vld [tilespmem:s2+$0x30];
	s0 =	sadd.s32 $0x80, s0;
	v8 =	vadd.f32 v8, v10  }
0x9f: {  	v3 =	vadd.f32 v4, v3;
	v10 =	vld [tilespmem:s2+$0xFFFFFFD0];
	p0 =	slt.u32 s0, $0x400;
	[tilespmem:s1+$0xFFFFFFC0] =	vst v12  }
0xa0: {  	v4 =	vadd.f32 v6, v5;
	v12 =	vld [tilespmem:s2+$0xFFFFFFE0];
	[tilespmem:s1+$0xFFFFFFD0] =	vst v8  }
0xa1: {  	v1 =	vadd.f32 v1, v7;
	v5 =	vld [tilespmem:s2+$0xFFFFFFF0];
	[tilespmem:s1+$0xFFFFFFE0] =	vst v3  }
0xa2: {  	v2 =	vadd.f32 v2, v9;
	v7 =	vld [tilespmem:s2+$0x0];
	[tilespmem:s1+$0xFFFFFFF0] =	vst v4  }
0xa3: {  	v0 =	vadd.f32 v0, v11;
	v9 =	vld [tilespmem:s2+$0x10];
	[tilespmem:s1+$0x0] =	vst v1  }
0xa4: {  	v11 =	vld [tilespmem:s2+$0x20];
	[tilespmem:s1+$0x10] =	vst v2  }
0xa5: {  	v1 =	vld [tilespmem:s2+$0xFFFFFFC0];
	[tilespmem:s1+$0x20] =	vst v0  }
0xa6: {  	s31 =	sadd.s32 $0x80, s31;
	v0 =	vld.idx.msk [tilespmem:v13+s15+$0x0], $0xffff  }
0xa7: {  	v2 =	vld [tilespmem:s31+$0x30]  }
0xa8: {  	v3 =	vld.idx.msk [tilespmem:v13+s16+$0x0], $0xffff  }
0xa9: {  	v4 =	vld.idx.msk [tilespmem:v10+s15+$0x0], $0xffff  }
0xaa: {  	v6 =	vld.idx.msk [tilespmem:v12+s15+$0x0], $0xffff  }
0xab: {  	v13 =	vld.idx.msk [tilespmem:v5+s15+$0x0], $0xffff  }
0xac: {  	v14 =	vld.idx.msk [tilespmem:v7+s15+$0x0], $0xffff;
	v0 =	vmul.f32 v2, v0  }
0xad: {  	v2 =	vld.idx.msk [tilespmem:v1+s15+$0x0], $0xffff  }
0xae: {  	v15 =	vld.idx.msk [tilespmem:v9+s15+$0x0], $0xffff;
	v0 =	vadd.f32 v0, v3  }
0xaf: {  	s1 =	sadd.s32 $0x80, s1;
	v16 =	vld.idx.msk [tilespmem:v11+s15+$0x0], $0xffff  }
0xb0: {  	v3 =	vld [tilespmem:s31+$0xFFFFFFC0];
	[tilespmem:s1+$0x30] =	vst v0  }
0xb1: {  	v0 =	vld [tilespmem:s31+$0xFFFFFFD0]  }
0xb2: {  	v17 =	vld [tilespmem:s31+$0xFFFFFFE0]  }
0xb3: {  	v18 =	vld [tilespmem:s31+$0xFFFFFFF0]  }
0xb4: {  	v19 =	vld [tilespmem:s31+$0x0]  }
0xb5: {  	v20 =	vmul.f32 v3, v2;
	v2 =	vld [tilespmem:s31+$0x10]  }
0xb6: {  	v8 =	vmul.f32 v0, v4;
	v0 =	vld [tilespmem:s31+$0x20]  }
0xb7: {  	v21 =	vld.idx.msk [tilespmem:v1+s16+$0x0], $0xffff;
	v4 =	vmul.f32 v17, v6  }
0xb8: {  	v10 =	vld.idx.msk [tilespmem:v10+s16+$0x0], $0xffff;
	v6 =	vmul.f32 v18, v13  }
.Ltmp1:
0xb9: {  	v3 =	vld.idx.msk [tilespmem:v12+s16+$0x0], $0xffff;
	v1 =	vmul.f32 v19, v14;
	(pc) =	sbr.rel @p0 .LBB2_4-.Ltmp1, $4  }
0xba: {  	v5 =	vld.idx.msk [tilespmem:v5+s16+$0x0], $0xffff;
	v2 =	vmul.f32 v2, v15  }
0xbb: {  	v7 =	vld.idx.msk [tilespmem:v7+s16+$0x0], $0xffff;
	v0 =	vmul.f32 v0, v16  }
0xbc: {  	v9 =	vld.idx.msk [tilespmem:v9+s16+$0x0], $0xffff  }
0xbd: {  	s2 =	sadd.s32 $0x80, s2;
	v12 =	vadd.f32 v20, v21;
	v11 =	vld.idx.msk [tilespmem:v11+s16+$0x0], $0xffff  }
0xbe: {  	v8 =	vadd.f32 v8, v10  }
0xbf: {  	v3 =	vadd.f32 v4, v3;
	[tilespmem:s1+$0xFFFFFFC0] =	vst v12  }
0xc0: {  	v4 =	vadd.f32 v6, v5;
	[tilespmem:s1+$0xFFFFFFD0] =	vst v8  }
0xc1: {  	[tilespmem:s1+$0xFFFFFFE0] =	vst v3;
	v1 =	vadd.f32 v1, v7  }
0xc2: {  	[tilespmem:s1+$0xFFFFFFF0] =	vst v4;
	v2 =	vadd.f32 v2, v9  }
0xc3: {  	[tilespmem:s1+$0x0] =	vst v1;
	v0 =	vadd.f32 v0, v11  }
0xc4: {  	[tilespmem:s1+$0x10] =	vst v2  }
0xc5: {  	[tilespmem:s1+$0x20] =	vst v0  }
0xc6: {  	[hbm4b:s12+s4] =	stream.linear.scatter [tilespmem:s25], [sflag:$0x4], $0x480, $0x38;
	[tilespmem:$0x2980] =	vst v63  }
0xc7: {  	_ =	swait.ge [sflag:s26], $0x480  }
0xc8: {  	[sflag:s26] =	ssyncset.done $0x0  }
0xc9: {  	[sflag:s26] =	ssyncadd.s32 $0xFFFFFB80  }
0xca: {  	_ =	swait.ge [sflag:s26], $0x480  }
0xcb: {  	[sflag:s26] =	ssyncset.done $0x0  }
0xcc: {  	s0 =	simm.s32 $0x16C0;
	[sflag:s26] =	ssyncadd.s32 $0xFFFFFB80  }
0xcd: {  	v0 =	vld [tilespmem:s0+$0x30]  }
0xce: {  	v1 =	vld [tilespmem:s0+$0xFFFFFFD0]  }
0xcf: {  	v2 =	vld [tilespmem:s0+$0xFFFFFFE0]  }
0xd0: {  	v4 =	vld [tilespmem:s0+$0xFFFFFFF0]  }
0xd1: {  	v6 =	vld [tilespmem:s0+$0x0]  }
0xd2: {  	v9 =	vld [tilespmem:s0+$0x10]  }
0xd3: {  	v11 =	vld [tilespmem:s0+$0x20]  }
0xd4: {  	s31 =	simm.s32 $0x940;
	v3 =	vld [tilespmem:s0+$0xFFFFFFC0]  }
0xd5: {  	v7 =	vld [tilespmem:s31+$0x30]  }
0xd6: {  	v18 =	vld [tilespmem:s31+$0xFFFFFFC0]  }
0xd7: {  	v19 =	vld [tilespmem:s31+$0xFFFFFFD0]  }
0xd8: {  	v20 =	vld [tilespmem:s31+$0xFFFFFFE0]  }
0xd9: {  	v21 =	vld [tilespmem:s31+$0xFFFFFFF0]  }
0xda: {  	v22 =	vld [tilespmem:s31+$0x0]  }
0xdb: {  	v23 =	vld [tilespmem:s31+$0x10]  }
0xdc: {  	v24 =	vld [tilespmem:s31+$0x20]  }
0xdd: {  	v5 =	vld.idx.msk [tilespmem:v0+s15+$0x0], $0xffff  }
0xde: {  	v0 =	vld.idx.msk [tilespmem:v0+s16+$0x0], $0xffff  }
0xdf: {  	v8 =	vld.idx.msk [tilespmem:v1+s15+$0x0], $0xffff  }
0xe0: {  	v12 =	vld.idx.msk [tilespmem:v2+s15+$0x0], $0xffff  }
0xe1: {  	v13 =	vld.idx.msk [tilespmem:v4+s15+$0x0], $0xffff  }
0xe2: {  	v14 =	vld.idx.msk [tilespmem:v6+s15+$0x0], $0xffff  }
0xe3: {  	v15 =	vld.idx.msk [tilespmem:v3+s15+$0x0], $0xffff  }
0xe4: {  	v16 =	vld.idx.msk [tilespmem:v9+s15+$0x0], $0xffff  }
0xe5: {  	v17 =	vld.idx.msk [tilespmem:v11+s15+$0x0], $0xffff  }
0xe6: {  	v25 =	vld.idx.msk [tilespmem:v3+s16+$0x0], $0xffff  }
0xe7: {  	v10 =	vld.idx.msk [tilespmem:v1+s16+$0x0], $0xffff  }
0xe8: {  	v3 =	vld.idx.msk [tilespmem:v2+s16+$0x0], $0xffff  }
0xe9: {  	v9 =	vld.idx.msk [tilespmem:v9+s16+$0x0], $0xffff;
	v5 =	vmul.f32 v7, v5  }
0xea: {  	v15 =	vmul.f32 v18, v15;
	v7 =	vld.idx.msk [tilespmem:v6+s16+$0x0], $0xffff  }
0xeb: {  	v8 =	vmul.f32 v19, v8;
	v6 =	vmul.f32 v21, v13;
	v0 =	vadd.f32 v5, v0;
	v5 =	vld.idx.msk [tilespmem:v4+s16+$0x0], $0xffff  }
0xec: {  	s1 =	simm.s32 $0x2440;
	v11 =	vld.idx.msk [tilespmem:v11+s16+$0x0], $0xffff;
	v1 =	vmul.f32 v22, v14;
	v2 =	vmul.f32 v23, v16  }
0xed: {  	s2 =	simm.s32 $0x1740;
	s0 =	simm.s32 $0x0;
	v4 =	vmul.f32 v20, v12;
	v12 =	vadd.f32 v15, v25;
	[tilespmem:s1+$0x30] =	vst v0;
	v0 =	vmul.f32 v24, v17  }
.LBB2_6:
0xee: {  	v13 =	vld [tilespmem:s2+$0x30];
	s0 =	sadd.s32 $0x80, s0;
	v8 =	vadd.f32 v8, v10  }
0xef: {  	v3 =	vadd.f32 v4, v3;
	v10 =	vld [tilespmem:s2+$0xFFFFFFD0];
	p0 =	slt.u32 s0, $0x400;
	[tilespmem:s1+$0xFFFFFFC0] =	vst v12  }
0xf0: {  	v4 =	vadd.f32 v6, v5;
	v12 =	vld [tilespmem:s2+$0xFFFFFFE0];
	[tilespmem:s1+$0xFFFFFFD0] =	vst v8  }
0xf1: {  	v1 =	vadd.f32 v1, v7;
	v5 =	vld [tilespmem:s2+$0xFFFFFFF0];
	[tilespmem:s1+$0xFFFFFFE0] =	vst v3  }
0xf2: {  	v2 =	vadd.f32 v2, v9;
	v7 =	vld [tilespmem:s2+$0x0];
	[tilespmem:s1+$0xFFFFFFF0] =	vst v4  }
0xf3: {  	v0 =	vadd.f32 v0, v11;
	v9 =	vld [tilespmem:s2+$0x10];
	[tilespmem:s1+$0x0] =	vst v1  }
0xf4: {  	v11 =	vld [tilespmem:s2+$0x20];
	[tilespmem:s1+$0x10] =	vst v2  }
0xf5: {  	v1 =	vld [tilespmem:s2+$0xFFFFFFC0];
	[tilespmem:s1+$0x20] =	vst v0  }
0xf6: {  	s31 =	sadd.s32 $0x80, s31;
	v0 =	vld.idx.msk [tilespmem:v13+s15+$0x0], $0xffff  }
0xf7: {  	v2 =	vld [tilespmem:s31+$0x30]  }
0xf8: {  	v3 =	vld.idx.msk [tilespmem:v13+s16+$0x0], $0xffff  }
0xf9: {  	v4 =	vld.idx.msk [tilespmem:v10+s15+$0x0], $0xffff  }
0xfa: {  	v6 =	vld.idx.msk [tilespmem:v12+s15+$0x0], $0xffff  }
0xfb: {  	v13 =	vld.idx.msk [tilespmem:v5+s15+$0x0], $0xffff  }
0xfc: {  	v14 =	vld.idx.msk [tilespmem:v7+s15+$0x0], $0xffff;
	v0 =	vmul.f32 v2, v0  }
0xfd: {  	v2 =	vld.idx.msk [tilespmem:v1+s15+$0x0], $0xffff  }
0xfe: {  	v15 =	vld.idx.msk [tilespmem:v9+s15+$0x0], $0xffff;
	v0 =	vadd.f32 v0, v3  }
0xff: {  	s1 =	sadd.s32 $0x80, s1;
	v16 =	vld.idx.msk [tilespmem:v11+s15+$0x0], $0xffff  }
0x100: {  	v3 =	vld [tilespmem:s31+$0xFFFFFFC0];
	[tilespmem:s1+$0x30] =	vst v0  }
0x101: {  	v0 =	vld [tilespmem:s31+$0xFFFFFFD0]  }
0x102: {  	v17 =	vld [tilespmem:s31+$0xFFFFFFE0]  }
0x103: {  	v18 =	vld [tilespmem:s31+$0xFFFFFFF0]  }
0x104: {  	v19 =	vld [tilespmem:s31+$0x0]  }
0x105: {  	v20 =	vmul.f32 v3, v2;
	v2 =	vld [tilespmem:s31+$0x10]  }
0x106: {  	v8 =	vmul.f32 v0, v4;
	v0 =	vld [tilespmem:s31+$0x20]  }
0x107: {  	v21 =	vld.idx.msk [tilespmem:v1+s16+$0x0], $0xffff;
	v4 =	vmul.f32 v17, v6  }
0x108: {  	v10 =	vld.idx.msk [tilespmem:v10+s16+$0x0], $0xffff;
	v6 =	vmul.f32 v18, v13  }
.Ltmp2:
0x109: {  	v3 =	vld.idx.msk [tilespmem:v12+s16+$0x0], $0xffff;
	v1 =	vmul.f32 v19, v14;
	(pc) =	sbr.rel @p0 .LBB2_6-.Ltmp2, $4  }
0x10a: {  	v5 =	vld.idx.msk [tilespmem:v5+s16+$0x0], $0xffff;
	v2 =	vmul.f32 v2, v15  }
0x10b: {  	v7 =	vld.idx.msk [tilespmem:v7+s16+$0x0], $0xffff;
	v0 =	vmul.f32 v0, v16  }
0x10c: {  	v9 =	vld.idx.msk [tilespmem:v9+s16+$0x0], $0xffff  }
0x10d: {  	s2 =	sadd.s32 $0x80, s2;
	v12 =	vadd.f32 v20, v21;
	v11 =	vld.idx.msk [tilespmem:v11+s16+$0x0], $0xffff  }
0x10e: {  	v8 =	vadd.f32 v8, v10  }
0x10f: {  	v3 =	vadd.f32 v4, v3;
	[tilespmem:s1+$0xFFFFFFC0] =	vst v12  }
0x110: {  	v63 =	vadd.f32 v6, v5;
	[tilespmem:s1+$0xFFFFFFD0] =	vst v8  }
0x111: {  	[tilespmem:s1+$0xFFFFFFE0] =	vst v3;
	v1 =	vadd.f32 v1, v7  }
0x112: {  	[tilespmem:s1+$0xFFFFFFF0] =	vst v63;
	v2 =	vadd.f32 v2, v9  }
0x113: {  	[tilespmem:s1+$0x0] =	vst v1;
	v0 =	vadd.f32 v0, v11  }
0x114: {  	[tilespmem:s1+$0x10] =	vst v2  }
0x115: {  	[tilespmem:s1+$0x20] =	vst v0  }
0x116: {  	[hbm4b:s13+s4] =	stream.linear.scatter [tilespmem:s28], [sflag:$0x4], $0x480, $0x38;
	[tilespmem:$0x2980] =	vst v63  }
0x117: {  	_ =	swait.ge [sflag:s29], $0x480  }
0x118: {  	[sflag:s29] =	ssyncset.done $0x0  }
0x119: {  	s30 =	sadd.s32 $0x1, s30;
	[sflag:s29] =	ssyncadd.s32 $0xFFFFFB80  }
0x11a: {  	p0 =	sne.s32 s30, s14;
	_ =	swait.ge [sflag:s29], $0x480  }
.Ltmp3:
0x11b: {  	[sflag:s29] =	ssyncset.done $0x0;
	(pc) =	sbr.rel @p0 .LBB2_1-.Ltmp3, $4  }
0x11c: {  	[sflag:s29] =	ssyncadd.s32 $0xFFFFFB80  }
0x11d: {  	_ =	swait.ge [sflag:s29], $0x480  }
0x11e: {  	[sflag:s29] =	ssyncset.done $0x0  }
0x11f: {  	[sflag:s29] =	ssyncadd.s32 $0xFFFFFB80  }
0x120: {  	_ =	sfence.sel $0x180000  }
0x121: {  	[bflag:$0x0] =	sbarrier.arrive $0xFFFF  }
0x122: {  	_ =	strace $0x90000047  }
0x123: {  	s0 =	stileid.u32;
	[bflag:$0x2] =	sbarrier.arrive $0xFFFF  }
0x124: {  	p0 =	sne.s32 s0, $0x0;
	s0 =	rddreg [dreg:$0x4]  }
0x125: {  	s0 =	sadd.s32 @!p0 $0x100000, s0  }
0x126: {  	[sflag:s0] =	ssyncadd.tile.s32 @!p0 $0x1;
	_ =	shalt  }
.Lfunc_end2:
_tile_overlayer_lowered:
.L_overlay_start_2:
0x127: {  	(tag) =	ssettag $0x2  }
0x128: {  	s0 =	rddreg [dreg:$0x0];
	s2 =	stileid.u32  }
0x129: {  	s1 =	rddreg [dreg:$0x1];
	p0 =	sne.s32 s2, $0x0  }
0x12a: {  	s3 =	rddreg [dreg:$0x2];
	[bflag:$0x3] =	sbarrier.arrive $0xFFFF;
	s2 =	simm.s32 @!p0 $0x1C05  }
0x12b: {  	[timem:s3], [sflag:s2] =	dma.local @!p0 [hbm:s0], s1  }
0x12c: {  	s0 =	simm.s32 @!p0 $0x5  }
0x12d: {  	_ =	swait.ge @!p0 [sflag:s0], s1  }
0x12e: {  	s1 =	ssub.s32 @!p0 $0x0, s1;
	[sflag:s0] =	ssyncset.done @!p0 $0x0  }
0x12f: {  	[sflag:s0] =	ssyncadd.s32 @!p0 s1  }
0x130: {  	[bflag:$0x3] =	sbarrier.arrive $0xFFFF  }
0x131: {  	_ =	shalt  }

</sc_bundles>
